<compile_context>
chip_gen: v7x
topology: tpu7x:2x2x1
jax: 0.10.2.dev20260603
libtpu: 0.0.44.dev20260713+nightly
codegen_flags: <defaults>
</compile_context>

<pallas_src>
import functools

import jax
import jax.numpy as jnp
from jax import lax
from jax.experimental import pallas as pl
from jax.experimental.pallas import tpu as pltpu
from jax.experimental.pallas import tpu_sc as plsc

V = 100000
E = 128
H = 256
B = 1024
L = 50

_UN = 8
_LA = 8


@functools.partial(jax.jit, static_argnums=(2, 3, 4))
def _sc_gather(table, idx3, n_tokens, d, ch):
    info = plsc.get_sparse_core_info()
    nw = info.num_cores * info.num_subcores
    n_per_w = n_tokens // nw
    n_ch = idx3.shape[1]
    mesh = plsc.VectorSubcoreMesh(core_axis_name="c", subcore_axis_name="s")

    @functools.partial(
        pl.kernel,
        mesh=mesh,
        out_type=jax.ShapeDtypeStruct((n_tokens, d), jnp.float32),
        scratch_types=[
            pltpu.VMEM((n_ch, ch), jnp.int32),
            pltpu.VMEM((ch, d), jnp.float32),
            pltpu.VMEM((ch, d), jnp.float32),
            pltpu.SemaphoreType.DMA,
            pltpu.SemaphoreType.DMA,
        ],
    )
    def gather_k(table_hbm, idx_hbm, out_hbm, idx_v, rows0, rows1, s0, s1):
        wid = lax.axis_index("s") * info.num_cores + lax.axis_index("c")
        base = wid * n_per_w
        pltpu.sync_copy(idx_hbm.at[wid], idx_v)
        bufs = (rows0, rows1)
        sems = (s0, s1)

        def start(j):
            b = j % 2
            return pltpu.async_copy(table_hbm.at[idx_v.at[j]], bufs[b], sems[b])

        h = [None, None]
        h[0] = start(0)
        for j in range(n_ch):
            b = j % 2
            if j + 1 < n_ch:
                h[1 - b] = start(j + 1)
            h[b].wait()
            pltpu.sync_copy(bufs[b], out_hbm.at[pl.ds(base + j * ch, ch)])

    return gather_k(table, idx3)


def _seg_body_first(x_ref, wih_ref, whh_ref, b_ref, out_ref, hn_ref, cn_ref,
                    h_scr, c_scr, *, ng, last_k, blk0):
    _seg_steps(None, None, x_ref, wih_ref, whh_ref, b_ref, out_ref, hn_ref,
               cn_ref, h_scr, c_scr, ng=ng, last_k=last_k, first=True)


def _seg_body_next(alias_ref, x_ref, wih_ref, whh_ref, b_ref, h0_ref, c0_ref,
                   out_ref, hn_ref, cn_ref, h_scr, c_scr, *, ng, last_k, blk0):
    _seg_steps(h0_ref, c0_ref, x_ref, wih_ref, whh_ref, b_ref, out_ref, hn_ref,
               cn_ref, h_scr, c_scr, ng=ng, last_k=last_k, first=False)


def _seg_steps(h0_ref, c0_ref, x_ref, wih_ref, whh_ref, b_ref, out_ref, hn_ref,
               cn_ref, h_scr, c_scr, *, ng, last_k, first):
    gi = pl.program_id(0)

    @pl.when(gi == 0)
    def _init():
        if first:
            h_scr[...] = jnp.zeros_like(h_scr)
            c_scr[...] = jnp.zeros_like(c_scr)
        else:
            h_scr[...] = h0_ref[...]
            c_scr[...] = c0_ref[...]

    def _sigmoid(z):
        return 0.5 * jnp.tanh(0.5 * z) + 0.5

    wih = wih_ref[...]
    whh = whh_ref[...]
    bias = b_ref[...]
    h = h_scr[...]
    c = c_scr[...]
    for k in range(_UN):
        x = x_ref[pl.ds(k * B, B), :]
        gates = (
            jnp.dot(x, wih, preferred_element_type=jnp.float32)
            + jnp.dot(h, whh, preferred_element_type=jnp.float32)
            + bias
        )
        i = _sigmoid(gates[:, 0:H])
        f = _sigmoid(gates[:, H : 2 * H])
        g = jnp.tanh(gates[:, 2 * H : 3 * H])
        o = _sigmoid(gates[:, 3 * H : 4 * H])
        c = f * c + i * g
        h = o * jnp.tanh(c)
        out_ref[k] = h
        if k == last_k:
            @pl.when(gi == ng - 1)
            def _write(h=h, c=c):
                hn_ref[...] = h
                cn_ref[...] = c
    h_scr[...] = h
    c_scr[...] = c


def _lstm_seg(xs, wih_t, whh_t, bias, h0c0, out_prev, l0, l_len):
    ng = -(-l_len // _UN)
    last_k = (l_len - 1) - (ng - 1) * _UN
    blk0 = l0 // _UN
    first = out_prev is None

    out_shape = [
        jax.ShapeDtypeStruct((L, B, H), jnp.float32),
        jax.ShapeDtypeStruct((B, H), jnp.float32),
        jax.ShapeDtypeStruct((B, H), jnp.float32),
    ]
    common_in = [
        pl.BlockSpec((_UN * B, E), lambda gi: (gi, 0)),
        pl.BlockSpec((E, 4 * H), lambda gi: (0, 0)),
        pl.BlockSpec((H, 4 * H), lambda gi: (0, 0)),
        pl.BlockSpec((1, 4 * H), lambda gi: (0, 0)),
    ]
    out_specs = [
        pl.BlockSpec((_UN, B, H), lambda gi, blk0=blk0: (gi + blk0, 0, 0)),
        pl.BlockSpec((B, H), lambda gi: (0, 0)),
        pl.BlockSpec((B, H), lambda gi: (0, 0)),
    ]
    scratch = [
        pltpu.VMEM((B, H), jnp.float32),
        pltpu.VMEM((B, H), jnp.float32),
    ]
    if first:
        return pl.pallas_call(
            functools.partial(_seg_body_first, ng=ng, last_k=last_k, blk0=blk0),
            grid=(ng,),
            in_specs=common_in,
            out_specs=out_specs,
            out_shape=out_shape,
            scratch_shapes=scratch,
            compiler_params=pltpu.CompilerParams(
                dimension_semantics=("arbitrary",),
            ),
        )(xs, wih_t, whh_t, bias)
    h0, c0 = h0c0
    return pl.pallas_call(
        functools.partial(_seg_body_next, ng=ng, last_k=last_k, blk0=blk0),
        grid=(ng,),
        in_specs=[pl.BlockSpec(memory_space=pl.ANY)]
        + common_in
        + [
            pl.BlockSpec((B, H), lambda gi: (0, 0)),
            pl.BlockSpec((B, H), lambda gi: (0, 0)),
        ],
        out_specs=out_specs,
        out_shape=out_shape,
        scratch_shapes=scratch,
        input_output_aliases={0: 0},
        compiler_params=pltpu.CompilerParams(
            dimension_semantics=("arbitrary",),
        ),
    )(out_prev, xs, wih_t, whh_t, bias, h0, c0)


def kernel(input, table, W_ih, W_hh, b_ih, b_hh):
    n = B * L
    info = plsc.get_sparse_core_info()
    nw = info.num_cores * info.num_subcores
    idx_lm = input.astype(jnp.int32).T.reshape(n)
    n_a = _LA * B
    n_b = n - n_a
    ch_a = 64
    ch_b = 112
    idx_a = idx_lm[:n_a].reshape(nw, (n_a // nw) // ch_a, ch_a)
    idx_b = idx_lm[n_a:].reshape(nw, (n_b // nw) // ch_b, ch_b)
    emb_a = _sc_gather(table, idx_a, n_a, E, ch_a)
    emb_b = _sc_gather(table, idx_b, n_b, E, ch_b)
    wih_t = W_ih.T
    whh_t = W_hh.T
    bias = (b_ih + b_hh).reshape(1, 4 * H)
    out_a, h_a, c_a = _lstm_seg(emb_a, wih_t, whh_t, bias, None, None, 0, _LA)
    out_b, hn, cn = _lstm_seg(
        emb_b, wih_t, whh_t, bias, (h_a, c_a), out_a, _LA, L - _LA
    )
    out = jnp.swapaxes(out_b, 0, 1)
    return (out, hn[None, :, :], cn[None, :, :])

# --- scband reference (transcript-rebuilt; emitter-appended) ---
"""Pipeline reference for scband-simple-encoder-46514495816218 (READ-ONLY COPY).

The authoritative reference and input builder live on the scoring server;
editing this copy changes nothing except your own understanding.
"""

import jax, jax.numpy as jnp
import numpy as np

V = 100000
E = 128
H = 256
B = 1024
L = 50

def setup_inputs(seed: int = 0) -> dict:
    key = jax.random.key(seed)
    ks = jax.random.split(key, 6)
    inp = jax.random.randint(ks[0], (B, L), 0, V)
    table = jax.random.normal(ks[1], (V, E), dtype=jnp.float32) * 0.02
    W_ih = jax.random.normal(ks[2], (4 * H, E), dtype=jnp.float32) * 0.05
    W_hh = jax.random.normal(ks[3], (4 * H, H), dtype=jnp.float32) * 0.05
    b_ih = jax.random.normal(ks[4], (4 * H,), dtype=jnp.float32) * 0.05
    b_hh = jax.random.normal(ks[5], (4 * H,), dtype=jnp.float32) * 0.05
    return {"input": inp, "table": table, "W_ih": W_ih, "W_hh": W_hh, "b_ih": b_ih, "b_hh": b_hh}

def reference(input, table, W_ih, W_hh, b_ih, b_hh):
    # Embedding lookup (gather)
    emb = jnp.take(table, input, axis=0)  # [B, L, E]
    Bb = emb.shape[0]
    h0 = jnp.zeros((Bb, H), dtype=jnp.float32)
    c0 = jnp.zeros((Bb, H), dtype=jnp.float32)

    def step(carry, x_t):
        h, c = carry
        gates = x_t @ W_ih.T + h @ W_hh.T + b_ih + b_hh
        i, f, g, o = jnp.split(gates, 4, axis=-1)  # PyTorch gate order: i, f, g, o
        i = jax.nn.sigmoid(i)
        f = jax.nn.sigmoid(f)
        g = jnp.tanh(g)
        o = jax.nn.sigmoid(o)
        c_new = f * c + i * g
        h_new = o * jnp.tanh(c_new)
        return (h_new, c_new), h_new

    xs = jnp.swapaxes(emb, 0, 1)  # [L, B, E]
    (hT, cT), hs = jax.lax.scan(step, (h0, c0), xs)
    out = jnp.swapaxes(hs, 0, 1)  # [B, L, H] (batch_first)
    h_n = hT[None, :, :]  # [num_layers=1, B, H]
    c_n = cT[None, :, :]
    return (out, h_n, c_n)

if __name__ == "__main__":
    import jax
    _d = setup_inputs()
    print(jax.jit(kernel)(*tuple(_d.values())))

</pallas_src>

<mosaic_0001>
#map = affine_map<(d0, d1) -> (0, 0)>
#map1 = affine_map<(d0, d1) -> (0, 0, 0)>
module attributes {stable_mosaic.version = 14 : i64} {
  func.func @gather_k(%arg0: i32, %arg1: i32, %arg2: memref<100000x128xf32, #tpu.memory_space<hbm>>, %arg3: memref<32x4x64xi32, #tpu.memory_space<hbm>>, %arg4: memref<8192x128xf32, #tpu.memory_space<hbm>>, %arg5: memref<4x64xi32, #tpu.memory_space<vmem>>, %arg6: memref<64x128xf32, #tpu.memory_space<vmem>>, %arg7: memref<64x128xf32, #tpu.memory_space<vmem>>, %arg8: memref<!tpu.dma_semaphore, #tpu.memory_space<semaphore_mem>>, %arg9: memref<!tpu.dma_semaphore, #tpu.memory_space<semaphore_mem>>) attributes {dimension_semantics = [#tpu.dimension_semantics<core_parallel>, #tpu.dimension_semantics<subcore_parallel>], iteration_bounds = array<i64: 2, 16>, scalar_prefetch = 0 : i64, scratch_operands = 5 : i64, tpu.core_type = #tpu.core_type<sc_vector_subcore>, window_params = [{transform_indices = #map}, {transform_indices = #map1}, {transform_indices = #map}]} {
    %mul3A = arith.constant 2 : i32
    %mul3A_0 = arith.muli %arg1, %mul3A : i32
    %add3A = arith.addi %mul3A_0, %arg0 : i32
    %mul3A_1 = arith.constant 256 : i32
    %mul3A_2 = arith.muli %add3A, %mul3A_1 : i32
    "tpu.region"() ({
      %run_scoped3A = tpu.sem_alloc : memref<!tpu.dma_semaphore, #tpu.memory_space<semaphore_mem>>
      %dma_start3A_65 = arith.constant 0 : i32
      %dma_start3A_66 = arith.constant 0 : i32
      %dma_start3A_67 = tpu.memref_slice %arg3[%add3A, %dma_start3A_65, %dma_start3A_66] : memref<32x4x64xi32, #tpu.memory_space<hbm>> -> memref<1x4x64xi32, #tpu.memory_space<hbm>>
      %dma_start3A_68 = tpu.memref_squeeze %dma_start3A_67 : memref<1x4x64xi32, #tpu.memory_space<hbm>> -> memref<4x64xi32, #tpu.memory_space<hbm>>
      %dma_start3A_69 = arith.constant 0 : i32
      %dma_start3A_70 = arith.constant 0 : i32
      %dma_start3A_71 = tpu.memref_slice %arg3[%add3A, %dma_start3A_69, %dma_start3A_70] : memref<32x4x64xi32, #tpu.memory_space<hbm>> -> memref<1x4x64xi32, #tpu.memory_space<hbm>>
      %dma_start3A_72 = tpu.memref_squeeze %dma_start3A_71 : memref<1x4x64xi32, #tpu.memory_space<hbm>> -> memref<4x64xi32, #tpu.memory_space<hbm>>
      tpu.enqueue_dma source(%dma_start3A_72 : memref<4x64xi32, #tpu.memory_space<hbm>>) target(%arg5 : memref<4x64xi32, #tpu.memory_space<vmem>>) target_semaphore(%run_scoped3A : memref<!tpu.dma_semaphore, #tpu.memory_space<semaphore_mem>>)
      %dma_wait3A_73 = arith.constant 0 : i32
      %dma_wait3A_74 = arith.constant 0 : i32
      %dma_wait3A_75 = tpu.memref_slice %arg3[%add3A, %dma_wait3A_73, %dma_wait3A_74] : memref<32x4x64xi32, #tpu.memory_space<hbm>> -> memref<1x4x64xi32, #tpu.memory_space<hbm>>
      %dma_wait3A_76 = tpu.memref_squeeze %dma_wait3A_75 : memref<1x4x64xi32, #tpu.memory_space<hbm>> -> memref<4x64xi32, #tpu.memory_space<hbm>>
      %dma_wait3A_77 = arith.constant 0 : i32
      %dma_wait3A_78 = arith.constant 0 : i32
      %dma_wait3A_79 = tpu.memref_slice %arg3[%add3A, %dma_wait3A_77, %dma_wait3A_78] : memref<32x4x64xi32, #tpu.memory_space<hbm>> -> memref<1x4x64xi32, #tpu.memory_space<hbm>>
      %dma_wait3A_80 = tpu.memref_squeeze %dma_wait3A_79 : memref<1x4x64xi32, #tpu.memory_space<hbm>> -> memref<4x64xi32, #tpu.memory_space<hbm>>
      tpu.wait_dma2 semaphore(%run_scoped3A : memref<!tpu.dma_semaphore, #tpu.memory_space<semaphore_mem>>) src(%dma_wait3A_80 : memref<4x64xi32, #tpu.memory_space<hbm>>) dst(%arg5 : memref<4x64xi32, #tpu.memory_space<vmem>>)
      tpu.yield
    }) : () -> ()
    %dma_start3A = arith.constant 0 : i32
    %dma_start3A_3 = arith.constant 0 : i32
    %dma_start3A_4 = tpu.memref_slice %arg5[%dma_start3A, %dma_start3A_3] : memref<4x64xi32, #tpu.memory_space<vmem>> -> memref<1x64xi32, #tpu.memory_space<vmem>>
    %dma_start3A_5 = tpu.memref_squeeze %dma_start3A_4 : memref<1x64xi32, #tpu.memory_space<vmem>> -> memref<64xi32, #tpu.memory_space<vmem>>
    %dma_start3A_6 = arith.constant 0 : i32
    %dma_start3A_7 = arith.constant 0 : i32
    %dma_start3A_8 = tpu.memref_slice %arg2[%dma_start3A_6, %dma_start3A_7] : memref<100000x128xf32, #tpu.memory_space<hbm>> -> memref<100000x128xf32, #tpu.memory_space<hbm>>
    tpu.enqueue_indirect_dma source(%dma_start3A_8 : memref<100000x128xf32, #tpu.memory_space<hbm>>) target(%arg6 : memref<64x128xf32, #tpu.memory_space<vmem>>) offsets(%dma_start3A_5 : memref<64xi32, #tpu.memory_space<vmem>>) semaphore(%arg8 : memref<!tpu.dma_semaphore, #tpu.memory_space<semaphore_mem>>)
    %dma_start3A_9 = arith.constant 1 : i32
    %dma_start3A_10 = arith.constant 0 : i32
    %dma_start3A_11 = tpu.memref_slice %arg5[%dma_start3A_9, %dma_start3A_10] : memref<4x64xi32, #tpu.memory_space<vmem>> -> memref<1x64xi32, #tpu.memory_space<vmem>>
    %dma_start3A_12 = tpu.memref_squeeze %dma_start3A_11 : memref<1x64xi32, #tpu.memory_space<vmem>> -> memref<64xi32, #tpu.memory_space<vmem>>
    %dma_start3A_13 = arith.constant 0 : i32
    %dma_start3A_14 = arith.constant 0 : i32
    %dma_start3A_15 = tpu.memref_slice %arg2[%dma_start3A_13, %dma_start3A_14] : memref<100000x128xf32, #tpu.memory_space<hbm>> -> memref<100000x128xf32, #tpu.memory_space<hbm>>
    tpu.enqueue_indirect_dma source(%dma_start3A_15 : memref<100000x128xf32, #tpu.memory_space<hbm>>) target(%arg7 : memref<64x128xf32, #tpu.memory_space<vmem>>) offsets(%dma_start3A_12 : memref<64xi32, #tpu.memory_space<vmem>>) semaphore(%arg9 : memref<!tpu.dma_semaphore, #tpu.memory_space<semaphore_mem>>)
    %dma_wait3A = arith.constant 0 : i32
    %dma_wait3A_16 = arith.constant 0 : i32
    %dma_wait3A_17 = tpu.memref_slice %arg5[%dma_wait3A, %dma_wait3A_16] : memref<4x64xi32, #tpu.memory_space<vmem>> -> memref<1x64xi32, #tpu.memory_space<vmem>>
    %dma_wait3A_18 = tpu.memref_squeeze %dma_wait3A_17 : memref<1x64xi32, #tpu.memory_space<vmem>> -> memref<64xi32, #tpu.memory_space<vmem>>
    %dma_wait3A_19 = arith.constant 0 : i32
    %dma_wait3A_20 = arith.constant 0 : i32
    %dma_wait3A_21 = tpu.memref_slice %arg2[%dma_wait3A_19, %dma_wait3A_20] : memref<100000x128xf32, #tpu.memory_space<hbm>> -> memref<100000x128xf32, #tpu.memory_space<hbm>>
    tpu.wait_indirect_dma semaphore(%arg8 : memref<!tpu.dma_semaphore, #tpu.memory_space<semaphore_mem>>) src(%dma_wait3A_21 : memref<100000x128xf32, #tpu.memory_space<hbm>>) dst(%arg6 : memref<64x128xf32, #tpu.memory_space<vmem>>)
    %add3A_22 = arith.constant 0 : i32
    %add3A_23 = arith.addi %mul3A_2, %add3A_22 : i32
    "tpu.region"() ({
      %run_scoped3A = tpu.sem_alloc : memref<!tpu.dma_semaphore, #tpu.memory_space<semaphore_mem>>
      %dma_start3A_65 = arith.constant 0 : i32
      %dma_start3A_66 = tpu.memref_slice %arg4[%add3A_23, %dma_start3A_65] : memref<8192x128xf32, #tpu.memory_space<hbm>> -> memref<64x128xf32, #tpu.memory_space<hbm>>
      %dma_start3A_67 = arith.constant 0 : i32
      %dma_start3A_68 = tpu.memref_slice %arg4[%add3A_23, %dma_start3A_67] : memref<8192x128xf32, #tpu.memory_space<hbm>> -> memref<64x128xf32, #tpu.memory_space<hbm>>
      tpu.enqueue_dma source(%arg6 : memref<64x128xf32, #tpu.memory_space<vmem>>) target(%dma_start3A_68 : memref<64x128xf32, #tpu.memory_space<hbm>>) target_semaphore(%run_scoped3A : memref<!tpu.dma_semaphore, #tpu.memory_space<semaphore_mem>>)
      %dma_wait3A_69 = arith.constant 0 : i32
      %dma_wait3A_70 = tpu.memref_slice %arg4[%add3A_23, %dma_wait3A_69] : memref<8192x128xf32, #tpu.memory_space<hbm>> -> memref<64x128xf32, #tpu.memory_space<hbm>>
      %dma_wait3A_71 = arith.constant 0 : i32
      %dma_wait3A_72 = tpu.memref_slice %arg4[%add3A_23, %dma_wait3A_71] : memref<8192x128xf32, #tpu.memory_space<hbm>> -> memref<64x128xf32, #tpu.memory_space<hbm>>
      tpu.wait_dma2 semaphore(%run_scoped3A : memref<!tpu.dma_semaphore, #tpu.memory_space<semaphore_mem>>) src(%arg6 : memref<64x128xf32, #tpu.memory_space<vmem>>) dst(%dma_wait3A_72 : memref<64x128xf32, #tpu.memory_space<hbm>>)
      tpu.yield
    }) : () -> ()
    %dma_start3A_24 = arith.constant 2 : i32
    %dma_start3A_25 = arith.constant 0 : i32
    %dma_start3A_26 = tpu.memref_slice %arg5[%dma_start3A_24, %dma_start3A_25] : memref<4x64xi32, #tpu.memory_space<vmem>> -> memref<1x64xi32, #tpu.memory_space<vmem>>
    %dma_start3A_27 = tpu.memref_squeeze %dma_start3A_26 : memref<1x64xi32, #tpu.memory_space<vmem>> -> memref<64xi32, #tpu.memory_space<vmem>>
    %dma_start3A_28 = arith.constant 0 : i32
    %dma_start3A_29 = arith.constant 0 : i32
    %dma_start3A_30 = tpu.memref_slice %arg2[%dma_start3A_28, %dma_start3A_29] : memref<100000x128xf32, #tpu.memory_space<hbm>> -> memref<100000x128xf32, #tpu.memory_space<hbm>>
    tpu.enqueue_indirect_dma source(%dma_start3A_30 : memref<100000x128xf32, #tpu.memory_space<hbm>>) target(%arg6 : memref<64x128xf32, #tpu.memory_space<vmem>>) offsets(%dma_start3A_27 : memref<64xi32, #tpu.memory_space<vmem>>) semaphore(%arg8 : memref<!tpu.dma_semaphore, #tpu.memory_space<semaphore_mem>>)
    %dma_wait3A_31 = arith.constant 1 : i32
    %dma_wait3A_32 = arith.constant 0 : i32
    %dma_wait3A_33 = tpu.memref_slice %arg5[%dma_wait3A_31, %dma_wait3A_32] : memref<4x64xi32, #tpu.memory_space<vmem>> -> memref<1x64xi32, #tpu.memory_space<vmem>>
    %dma_wait3A_34 = tpu.memref_squeeze %dma_wait3A_33 : memref<1x64xi32, #tpu.memory_space<vmem>> -> memref<64xi32, #tpu.memory_space<vmem>>
    %dma_wait3A_35 = arith.constant 0 : i32
    %dma_wait3A_36 = arith.constant 0 : i32
    %dma_wait3A_37 = tpu.memref_slice %arg2[%dma_wait3A_35, %dma_wait3A_36] : memref<100000x128xf32, #tpu.memory_space<hbm>> -> memref<100000x128xf32, #tpu.memory_space<hbm>>
    tpu.wait_indirect_dma semaphore(%arg9 : memref<!tpu.dma_semaphore, #tpu.memory_space<semaphore_mem>>) src(%dma_wait3A_37 : memref<100000x128xf32, #tpu.memory_space<hbm>>) dst(%arg7 : memref<64x128xf32, #tpu.memory_space<vmem>>)
    %add3A_38 = arith.constant 64 : i32
    %add3A_39 = arith.addi %mul3A_2, %add3A_38 : i32
    "tpu.region"() ({
      %run_scoped3A = tpu.sem_alloc : memref<!tpu.dma_semaphore, #tpu.memory_space<semaphore_mem>>
      %dma_start3A_65 = arith.constant 0 : i32
      %dma_start3A_66 = tpu.memref_slice %arg4[%add3A_39, %dma_start3A_65] : memref<8192x128xf32, #tpu.memory_space<hbm>> -> memref<64x128xf32, #tpu.memory_space<hbm>>
      %dma_start3A_67 = arith.constant 0 : i32
      %dma_start3A_68 = tpu.memref_slice %arg4[%add3A_39, %dma_start3A_67] : memref<8192x128xf32, #tpu.memory_space<hbm>> -> memref<64x128xf32, #tpu.memory_space<hbm>>
      tpu.enqueue_dma source(%arg7 : memref<64x128xf32, #tpu.memory_space<vmem>>) target(%dma_start3A_68 : memref<64x128xf32, #tpu.memory_space<hbm>>) target_semaphore(%run_scoped3A : memref<!tpu.dma_semaphore, #tpu.memory_space<semaphore_mem>>)
      %dma_wait3A_69 = arith.constant 0 : i32
      %dma_wait3A_70 = tpu.memref_slice %arg4[%add3A_39, %dma_wait3A_69] : memref<8192x128xf32, #tpu.memory_space<hbm>> -> memref<64x128xf32, #tpu.memory_space<hbm>>
      %dma_wait3A_71 = arith.constant 0 : i32
      %dma_wait3A_72 = tpu.memref_slice %arg4[%add3A_39, %dma_wait3A_71] : memref<8192x128xf32, #tpu.memory_space<hbm>> -> memref<64x128xf32, #tpu.memory_space<hbm>>
      tpu.wait_dma2 semaphore(%run_scoped3A : memref<!tpu.dma_semaphore, #tpu.memory_space<semaphore_mem>>) src(%arg7 : memref<64x128xf32, #tpu.memory_space<vmem>>) dst(%dma_wait3A_72 : memref<64x128xf32, #tpu.memory_space<hbm>>)
      tpu.yield
    }) : () -> ()
    %dma_start3A_40 = arith.constant 3 : i32
    %dma_start3A_41 = arith.constant 0 : i32
    %dma_start3A_42 = tpu.memref_slice %arg5[%dma_start3A_40, %dma_start3A_41] : memref<4x64xi32, #tpu.memory_space<vmem>> -> memref<1x64xi32, #tpu.memory_space<vmem>>
    %dma_start3A_43 = tpu.memref_squeeze %dma_start3A_42 : memref<1x64xi32, #tpu.memory_space<vmem>> -> memref<64xi32, #tpu.memory_space<vmem>>
    %dma_start3A_44 = arith.constant 0 : i32
    %dma_start3A_45 = arith.constant 0 : i32
    %dma_start3A_46 = tpu.memref_slice %arg2[%dma_start3A_44, %dma_start3A_45] : memref<100000x128xf32, #tpu.memory_space<hbm>> -> memref<100000x128xf32, #tpu.memory_space<hbm>>
    tpu.enqueue_indirect_dma source(%dma_start3A_46 : memref<100000x128xf32, #tpu.memory_space<hbm>>) target(%arg7 : memref<64x128xf32, #tpu.memory_space<vmem>>) offsets(%dma_start3A_43 : memref<64xi32, #tpu.memory_space<vmem>>) semaphore(%arg9 : memref<!tpu.dma_semaphore, #tpu.memory_space<semaphore_mem>>)
    %dma_wait3A_47 = arith.constant 2 : i32
    %dma_wait3A_48 = arith.constant 0 : i32
    %dma_wait3A_49 = tpu.memref_slice %arg5[%dma_wait3A_47, %dma_wait3A_48] : memref<4x64xi32, #tpu.memory_space<vmem>> -> memref<1x64xi32, #tpu.memory_space<vmem>>
    %dma_wait3A_50 = tpu.memref_squeeze %dma_wait3A_49 : memref<1x64xi32, #tpu.memory_space<vmem>> -> memref<64xi32, #tpu.memory_space<vmem>>
    %dma_wait3A_51 = arith.constant 0 : i32
    %dma_wait3A_52 = arith.constant 0 : i32
    %dma_wait3A_53 = tpu.memref_slice %arg2[%dma_wait3A_51, %dma_wait3A_52] : memref<100000x128xf32, #tpu.memory_space<hbm>> -> memref<100000x128xf32, #tpu.memory_space<hbm>>
    tpu.wait_indirect_dma semaphore(%arg8 : memref<!tpu.dma_semaphore, #tpu.memory_space<semaphore_mem>>) src(%dma_wait3A_53 : memref<100000x128xf32, #tpu.memory_space<hbm>>) dst(%arg6 : memref<64x128xf32, #tpu.memory_space<vmem>>)
    %add3A_54 = arith.constant 128 : i32
    %add3A_55 = arith.addi %mul3A_2, %add3A_54 : i32
    "tpu.region"() ({
      %run_scoped3A = tpu.sem_alloc : memref<!tpu.dma_semaphore, #tpu.memory_space<semaphore_mem>>
      %dma_start3A_65 = arith.constant 0 : i32
      %dma_start3A_66 = tpu.memref_slice %arg4[%add3A_55, %dma_start3A_65] : memref<8192x128xf32, #tpu.memory_space<hbm>> -> memref<64x128xf32, #tpu.memory_space<hbm>>
      %dma_start3A_67 = arith.constant 0 : i32
      %dma_start3A_68 = tpu.memref_slice %arg4[%add3A_55, %dma_start3A_67] : memref<8192x128xf32, #tpu.memory_space<hbm>> -> memref<64x128xf32, #tpu.memory_space<hbm>>
      tpu.enqueue_dma source(%arg6 : memref<64x128xf32, #tpu.memory_space<vmem>>) target(%dma_start3A_68 : memref<64x128xf32, #tpu.memory_space<hbm>>) target_semaphore(%run_scoped3A : memref<!tpu.dma_semaphore, #tpu.memory_space<semaphore_mem>>)
      %dma_wait3A_69 = arith.constant 0 : i32
      %dma_wait3A_70 = tpu.memref_slice %arg4[%add3A_55, %dma_wait3A_69] : memref<8192x128xf32, #tpu.memory_space<hbm>> -> memref<64x128xf32, #tpu.memory_space<hbm>>
      %dma_wait3A_71 = arith.constant 0 : i32
      %dma_wait3A_72 = tpu.memref_slice %arg4[%add3A_55, %dma_wait3A_71] : memref<8192x128xf32, #tpu.memory_space<hbm>> -> memref<64x128xf32, #tpu.memory_space<hbm>>
      tpu.wait_dma2 semaphore(%run_scoped3A : memref<!tpu.dma_semaphore, #tpu.memory_space<semaphore_mem>>) src(%arg6 : memref<64x128xf32, #tpu.memory_space<vmem>>) dst(%dma_wait3A_72 : memref<64x128xf32, #tpu.memory_space<hbm>>)
      tpu.yield
    }) : () -> ()
    %dma_wait3A_56 = arith.constant 3 : i32
    %dma_wait3A_57 = arith.constant 0 : i32
    %dma_wait3A_58 = tpu.memref_slice %arg5[%dma_wait3A_56, %dma_wait3A_57] : memref<4x64xi32, #tpu.memory_space<vmem>> -> memref<1x64xi32, #tpu.memory_space<vmem>>
    %dma_wait3A_59 = tpu.memref_squeeze %dma_wait3A_58 : memref<1x64xi32, #tpu.memory_space<vmem>> -> memref<64xi32, #tpu.memory_space<vmem>>
    %dma_wait3A_60 = arith.constant 0 : i32
    %dma_wait3A_61 = arith.constant 0 : i32
    %dma_wait3A_62 = tpu.memref_slice %arg2[%dma_wait3A_60, %dma_wait3A_61] : memref<100000x128xf32, #tpu.memory_space<hbm>> -> memref<100000x128xf32, #tpu.memory_space<hbm>>
    tpu.wait_indirect_dma semaphore(%arg9 : memref<!tpu.dma_semaphore, #tpu.memory_space<semaphore_mem>>) src(%dma_wait3A_62 : memref<100000x128xf32, #tpu.memory_space<hbm>>) dst(%arg7 : memref<64x128xf32, #tpu.memory_space<vmem>>)
    %add3A_63 = arith.constant 192 : i32
    %add3A_64 = arith.addi %mul3A_2, %add3A_63 : i32
    "tpu.region"() ({
      %run_scoped3A = tpu.sem_alloc : memref<!tpu.dma_semaphore, #tpu.memory_space<semaphore_mem>>
      %dma_start3A_65 = arith.constant 0 : i32
      %dma_start3A_66 = tpu.memref_slice %arg4[%add3A_64, %dma_start3A_65] : memref<8192x128xf32, #tpu.memory_space<hbm>> -> memref<64x128xf32, #tpu.memory_space<hbm>>
      %dma_start3A_67 = arith.constant 0 : i32
      %dma_start3A_68 = tpu.memref_slice %arg4[%add3A_64, %dma_start3A_67] : memref<8192x128xf32, #tpu.memory_space<hbm>> -> memref<64x128xf32, #tpu.memory_space<hbm>>
      tpu.enqueue_dma source(%arg7 : memref<64x128xf32, #tpu.memory_space<vmem>>) target(%dma_start3A_68 : memref<64x128xf32, #tpu.memory_space<hbm>>) target_semaphore(%run_scoped3A : memref<!tpu.dma_semaphore, #tpu.memory_space<semaphore_mem>>)
      %dma_wait3A_69 = arith.constant 0 : i32
      %dma_wait3A_70 = tpu.memref_slice %arg4[%add3A_64, %dma_wait3A_69] : memref<8192x128xf32, #tpu.memory_space<hbm>> -> memref<64x128xf32, #tpu.memory_space<hbm>>
      %dma_wait3A_71 = arith.constant 0 : i32
      %dma_wait3A_72 = tpu.memref_slice %arg4[%add3A_64, %dma_wait3A_71] : memref<8192x128xf32, #tpu.memory_space<hbm>> -> memref<64x128xf32, #tpu.memory_space<hbm>>
      tpu.wait_dma2 semaphore(%run_scoped3A : memref<!tpu.dma_semaphore, #tpu.memory_space<semaphore_mem>>) src(%arg7 : memref<64x128xf32, #tpu.memory_space<vmem>>) dst(%dma_wait3A_72 : memref<64x128xf32, #tpu.memory_space<hbm>>)
      tpu.yield
    }) : () -> ()
    return
  }
}

</mosaic_0001>

<sc_bundles>
// kernel: _sc_gather.3.cloned.1.call-start
scs
__scs_entry_jumppad:
0x0: {  	(pc) =	sbr.rel $0x88, $3  }
0x1: {  	(tag) =	ssettag $0x0;
	lr =	simm.s32 $0x1  }
0x2: {  	[smem:$0x3F9F] =	sst lr;
	_ =	strace $0xD0000000  }
0x3: {  	_ = 	snop  }
0x4: {  	_ = 	snop  }
0x5: {  	_ = 	snop  }
0x6: {  	_ = 	snop  }
0x7: {  	_ = 	snop  }
__scs_overlays_trampoline_lowered:
0x8: {  	[smem:$0x3FAE] =	sst s0  }
0x9: {  	[smem:$0x3FAF] =	sst s1  }
0xa: {  	[smem:$0x3FB0] =	sst s2  }
0xb: {  	[smem:$0x3FB1] =	sst s3  }
0xc: {  	[smem:$0x3FB2] =	sst s4  }
0xd: {  	[smem:$0x3FB3] =	sst s5  }
0xe: {  	[smem:$0x3FB4] =	sst s6  }
0xf: {  	[smem:$0x3FB5] =	sst s7  }
0x10: {  	[smem:$0x3FB6] =	sst s8  }
0x11: {  	[smem:$0x3FB7] =	sst s9;
	s0 =	simm.s32 @!p0 $0x0  }
0x12: {  	s1 =	sld [smem:$0x3F9D];
	s0 =	simm.s32 @p0 $0x1  }
0x13: {  	[smem:$0x3FB8] =	sst s0;
	s0 =	simm.s32 @!p1 $0x0  }
0x14: {  	s2 =	sld [smem:$0x3F9C];
	s0 =	simm.s32 @p1 $0x1  }
0x15: {  	[smem:$0x3FB9] =	sst s0;
	s0 =	simm.s32 @!p2 $0x0  }
0x16: {  	s3 =	sld [smem:$0x3FDB];
	s0 =	simm.s32 @p2 $0x1  }
0x17: {  	s4 =	simm.s32 $0x1BF5;
	[smem:$0x3FBB] =	sst s0  }
0x18: {  	s0 =	sld [smem:$0x3F9E];
	_ =	swait.ge [sflag:s4], $0x0  }
0x19: {  	s7 =	sld [smem:$0x3F9F]  }
0x1a: {  	s8 =	sadd.s32 $0xFFFFE003, lr  }
0x1b: {  	s9 =	sadd.s32 $0xFFFFFEF7, lr;
	s5 =	simm.s32 $0xFFFFFFFF;
	p2 =	slt.u32 s8, $0xFFFFF086  }
0x1c: {  	p1 =	slt.u32 s9, $0xF7A;
	s5 =	simm.s32 @!p2 $0x0  }
0x1d: {  	s5 =	simm.s32 @p1 $0x1;
	p0 =	seq.s32 s7, s2  }
0x1e: {  	s7 =	smul.u32 @!p0 $0xF7A, s2;
	p2 =	seq.s32 @!p0 s5, $0x0  }
0x1f: {  	s9 =	smul.u32 $0xF7A, s1;
	s8 =	simm.s32 @!p0 $0x1BF5;
	p2 =	por !p2, p0  }
0x20: {  	[sflag:s8] =	ssyncset.s32 @!p0 $0xFFFFF086;
	s6 =	sadd.s32 @!p0 s3, s7;
	s7 =	simm.s32 @!p0 $0x108  }
0x21: {  	s3 =	sadd.s32 s3, s9;
	s6 =	sadd.s32 @!p0 $0x88, s6;
	s7 =	simm.s32 @p2 $0x1082  }
0x22: {  	[simem:s7], [sflag:s8] =	dma.local @!p0 [hbm:s6], $0xF7A  }
0x23: {  	s9 =	sor.u32 $0xD0000000, s2;
	s6 =	simm.s32 $0x108;
	_ =	swait.ge @!p0 [sflag:s8], $0x0  }
0x24: {  	s3 =	sadd.s32 $0x88, s3;
	s6 =	simm.s32 @!p1 $0x1082;
	[sflag:s4] =	ssyncset.s32 $0xFFFFF086  }
0x25: {  	[simem:s6], [sflag:s4] =	dma.local [hbm:s3], $0xF7A  }
0x26: {  	[smem:$0x3F9F] =	sst s1;
	(tag) =	ssettag s2;
	_ =	strace s9  }
0x27: {  	s1 =	sld [smem:$0x3FAF]  }
0x28: {  	s2 =	sld [smem:$0x3FB0]  }
0x29: {  	s4 =	sld [smem:$0x3FB2]  }
0x2a: {  	p0 =	seq.s32 s5, $0x0;
	s5 =	sld [smem:$0x3FB3]  }
0x2b: {  	s6 =	sld [smem:$0x3FB4]  }
0x2c: {  	s7 =	sld [smem:$0x3FB5]  }
0x2d: {  	s3 =	simm.s32 $0x108;
	s8 =	sld [smem:$0x3FB6]  }
0x2e: {  	s3 =	simm.s32 @!p0 $0x1082;
	s9 =	sld [smem:$0x3FB7]  }
0x2f: {  	lr =	sadd.s32 s0, s3;
	s0 =	sld [smem:$0x3FAE]  }
0x30: {  	s3 =	sld [smem:$0x3FB1]  }
0x31: {  	[smem:$0x3FBA] =	sst s10  }
0x32: {  	s10 =	sld [smem:$0x3FB8];
	_ =	sdelay $0x3  }
0x33: {  	p0 =	seq.s32 s10, $0x1;
	s10 =	sld [smem:$0x3FBA];
	_ =	sdelay $0x3  }
0x34: {  	[smem:$0x3FBA] =	sst s10  }
0x35: {  	s10 =	sld [smem:$0x3FB9];
	_ =	sdelay $0x3  }
0x36: {  	p1 =	seq.s32 s10, $0x1;
	s10 =	sld [smem:$0x3FBA];
	_ =	sdelay $0x3  }
0x37: {  	[smem:$0x3FBA] =	sst s10  }
0x38: {  	s10 =	sld [smem:$0x3FBB]  }
0x39: {  	_ = 	snop;
	(pc) =	sbr.ind lr, $3  }
0x3a: {  	_ = 	snop  }
0x3b: {  	_ = 	snop  }
0x3c: {  	p2 =	seq.s32 s10, $0x1;
	s10 =	sld [smem:$0x3FBA]  }
0x3d: {  	_ =	shalt  }
0x3e: {  	_ =	shalt  }
0x3f: {  	_ =	shalt  }
0x40: {  	_ =	shalt  }
0x41: {  	_ =	shalt  }
0x42: {  	_ =	shalt  }
0x43: {  	_ =	shalt  }
0x44: {  	_ =	shalt  }
0x45: {  	_ =	shalt  }
0x46: {  	_ =	shalt  }
0x47: {  	_ =	shalt  }
0x48: {  	_ =	shalt  }
0x49: {  	_ =	shalt  }
0x4a: {  	_ =	shalt  }
0x4b: {  	_ =	shalt  }
0x4c: {  	_ =	shalt  }
0x4d: {  	_ =	shalt  }
0x4e: {  	_ =	shalt  }
0x4f: {  	_ =	shalt  }
0x50: {  	_ =	shalt  }
0x51: {  	_ =	shalt  }
0x52: {  	_ =	shalt  }
0x53: {  	_ =	shalt  }
0x54: {  	_ =	shalt  }
0x55: {  	_ =	shalt  }
0x56: {  	_ =	shalt  }
0x57: {  	_ =	shalt  }
0x58: {  	_ =	shalt  }
0x59: {  	_ =	shalt  }
0x5a: {  	_ =	shalt  }
0x5b: {  	_ =	shalt  }
0x5c: {  	_ =	shalt  }
0x5d: {  	_ =	shalt  }
0x5e: {  	_ =	shalt  }
0x5f: {  	_ =	shalt  }
0x60: {  	_ =	shalt  }
0x61: {  	_ =	shalt  }
0x62: {  	_ =	shalt  }
0x63: {  	_ =	shalt  }
0x64: {  	_ =	shalt  }
0x65: {  	_ =	shalt  }
0x66: {  	_ =	shalt  }
0x67: {  	_ =	shalt  }
0x68: {  	_ =	shalt  }
0x69: {  	_ =	shalt  }
0x6a: {  	_ =	shalt  }
0x6b: {  	_ =	shalt  }
0x6c: {  	_ =	shalt  }
0x6d: {  	_ =	shalt  }
0x6e: {  	_ =	shalt  }
0x6f: {  	_ =	shalt  }
0x70: {  	_ =	shalt  }
0x71: {  	_ =	shalt  }
0x72: {  	_ =	shalt  }
0x73: {  	_ =	shalt  }
0x74: {  	_ =	shalt  }
0x75: {  	_ =	shalt  }
0x76: {  	_ =	shalt  }
0x77: {  	_ =	shalt  }
0x78: {  	_ =	shalt  }
0x79: {  	_ =	shalt  }
0x7a: {  	_ =	shalt  }
0x7b: {  	_ =	shalt  }
0x7c: {  	_ =	shalt  }
0x7d: {  	_ =	shalt  }
0x7e: {  	_ =	shalt  }
0x7f: {  	_ =	shalt  }
0x80: {  	_ =	shalt  }
0x81: {  	_ =	shalt  }
0x82: {  	_ =	shalt  }
0x83: {  	_ =	shalt  }
0x84: {  	_ =	shalt  }
0x85: {  	_ =	shalt  }
0x86: {  	_ =	shalt  }
0x87: {  	_ =	shalt  }
.Lfunc_end0:
.L_simem_size_0:
called_computation_lowered:
.L_overlay_start_0:
0x88: {  	s2 =	sld [smem:$0x3FD9]  }
0x89: {  	s3 =	sld [smem:$0x3FFE];
	_ =	sdelay $0x1  }
0x8a: {  	s1 =	srdreg.scid  }
0x8b: {  	s0 =	sand.u32 $0x1, s1  }
0x8c: {  	s18 =	sshll.u32 s0, $0xA;
	s2 =	sadd.s32 s3, s2  }
0x8d: {  	s2 =	sadd.s32 s2, s18  }
0x8e: {  	[smem:$0x3FC6] =	sst s2  }
0x8f: {  	_ = 	snop  }
0x90: {  	s2 =	sld [smem:$0x3FC9]  }
0x91: {  	s19 =	sld [smem:$0x3FC8]  }
0x92: {  	s4 =	sld [smem:$0x3FD0];
	(tm) =	ssettm $0x1  }
0x93: {  	s5 =	sld [smem:$0x3FFB];
	_ =	sdelay $0x3  }
0x94: {  	_ =	strace s5  }
0x95: {  	s5 =	sld [smem:$0x3FFC];
	_ =	sdelay $0x3  }
0x96: {  	_ =	strace s5  }
0x97: {  	s5 =	sld [smem:$0x3FFD];
	_ =	sdelay $0x3  }
0x98: {  	_ =	strace s5  }
0x99: {  	_ =	strace $0x8FFFFFFF  }
0x9a: {  	s20 =	sld [smem:$0x3FDB];
	_ =	sdelay $0x1  }
0x9b: {  	s6 =	simm.s32 $_scs_section_size  }
0x9c: {  	s7 =	simm.s32 $_size__tile_overlayer_lowered;
	s8 =	simm.s32 $_tile_overlayer_lowered  }
0x9d: {  	s23 =	simm.s32 $0x1BFF;
	s22 =	sshll.u32 s8, $0x1;
	s5 =	sadd.s32 s6, s20  }
0x9e: {  	s9 =	simm.s32 $0x0;
	s21 =	sshll.u32 s7, $0x1;
	s7 =	sadd.s32 s22, s5  }
0x9f: {  	[timem:s9], [sflag:s23] =	dma.local [hbm:s7], s21  }
0xa0: {  	_ =	swait.ge [sflag:s23], s21  }
0xa1: {  	s6 =	ssub.s32 $0x0, s21;
	[sflag:s23] =	ssyncset.done $0x0  }
0xa2: {  	[sflag:s23] =	ssyncadd.s32 s6;
	_ =	sdelay $0x1  }
0xa3: {  	s24 =	simm.s32 $0x1B8B  }
0xa4: {  	_ =	swait.ge [sflag:s24], $0x1  }
0xa5: {  	[sflag:s24] =	ssyncset.done $0x0  }
0xa6: {  	s25 =	simm.s32 $0x1B8E;
	[sflag:s24] =	ssyncadd.s32 $0xFFFFFFFF  }
0xa7: {  	s26 =	simm.s32 $execute0_lowered;
	[smem:$0x3FD2] =	sst s25  }
0xa8: {  	s6 =	sshll.u32 s26, $0x1;
	_ =	strace $0x80000046;
	[dreg:$0x1] =	wrdreg $0xFFFFFFFF  }
0xa9: {  	s28 =	simm.s32 $_size_execute0_lowered;
	s5 =	sadd.s32 s5, s6;
	[dreg:$0x0] =	wrdreg $0x0  }
0xaa: {  	s6 =	sshll.u32 s28, $0x1;
	[dreg:$0x2] =	wrdreg s5  }
0xab: {  	[dreg:$0x3] =	wrdreg s6  }
0xac: {  	[dreg:$0x4] =	wrdreg $0xC0  }
0xad: {  	_ =	task [dreg:s9], $0x5FFFF  }
0xae: {  	[dreg:$0x1] =	wrdreg $0xFFFFFFFF  }
0xaf: {  	[dreg:$0x0] =	wrdreg $0x60  }
0xb0: {  	[dreg:$0x2] =	wrdreg s2  }
0xb1: {  	[dreg:$0x3] =	wrdreg s19  }
0xb2: {  	[dreg:$0x4] =	wrdreg s4  }
0xb3: {  	[dreg:$0x5] =	wrdreg $0x9  }
0xb4: {  	_ =	task.clear_ibuf [dreg:s9], $0x6FFFF;
	_ =	strace $0x90000046  }
0xb5: {  	s29 =	simm.s32 $0x9;
	_ =	strace $0x80000048  }
0xb6: {  	_ =	swait.ge [sflag:s29], $0x1  }
0xb7: {  	[sflag:s29] =	ssyncadd.s32 $0xFFFFFFFF  }
0xb8: {  	_ =	strace $0x90000048  }
0xb9: {  	_ =	sfence  }
0xba: {  	s30 =	sld [smem:$0x0];
	_ =	sdelay $0x2  }
0xbb: {  	s31 =	sshll.u32 s1, $0xD;
	s1 =	sshrl.u32 s1, $0x2  }
0xbc: {  	s3 =	sand.u32 $0x4000, s31;
	s1 =	sadd.s32 s1, s30  }
0xbd: {  	s0 =	sor.u32 s3, s0;
	s1 =	sshll.u32 s1, $0x11  }
0xbe: {  	s0 =	sor.u32 s1, s0  }
0xbf: {  	s0 =	sadd.s32 $0x8F2B, s0  }
0xc0: {  	[sflag:s0] =	ssyncadd.remote.s32 $0x1  }
0xc1: {  	_ =	sfence.sel $0xFFFF  }
0xc2: {  	[dreg:$0x0] =	wrdreg $0xFFFFFFFF;
	(pc) =	sbr.abs _section_cstart, $3  }
0xc3: {  	[dreg:$0x1] =	wrdreg $0xFFFFFFFF  }
0xc4: {  	_ =	task.clear_ibuf [dreg:s9], $0x2FFFF;
	_ =	strace $0x9FFFFFFF  }
0xc5: {  	(tm) =	ssettm $0x7FFFFFFF  }
tec
execute0_lowered:
.L_overlay_start_1:
0x0: {  	(tag) =	ssettag $0x1  }
0x1: {  	s2 =	rddreg [dreg:$0x0]  }
0x2: {  	s4 =	rddreg [dreg:$0x1]  }
0x3: {  	s1 =	srdreg.scid;
	s0 =	stileid.u32  }
0x4: {  	s11 =	rddreg [dreg:$0x2];
	s17 =	sand.u32 $0x1, s1;
	s5 =	sshll.u32 s0, $0x1  }
0x5: {  	s3 =	simm.s32 $0x0;
	s1 =	rddreg [dreg:$0x3];
	s12 =	sor.u32 s17, s5  }
0x6: {  	[smem:$0x7FF] =	sst s3;
	s5 =	sshll.u32 s12, $0x6  }
0x7: {  	_ =	strace $0x80000047;
	s5 =	sadd.s32 s4, s5;
	s4 =	simm.s32 $0x3  }
0x8: {  	[tilespmem:s3], [sflag:$0x3] =	stream.linear.gather [hbm4b:s5+s3], $0x200, $0x38;
	[tilespmem:$0x4200] =	vst v63  }
0x9: {  	_ =	swait.ge [sflag:s4], $0x200  }
0xa: {  	[sflag:s4] =	ssyncset.done $0x0  }
0xb: {  	s6 =	simm.s32 $0x40;
	s7 =	simm.s32 $0x200;
	[sflag:s4] =	ssyncadd.s32 $0xFFFFFE00  }
0xc: {  	[tilespmem:s7], [sflag:$0x1] =	stream.indirect.gather [hbm4b:s2+s6], $0x80, s3, s6, $0xb8;
	[tilespmem:$0x4200] =	vst v63  }
0xd: {  	s8 =	simm.s32 $0x80;
	s9 =	simm.s32 $0x2200;
	s10 =	simm.s32 $0x1  }
0xe: {  	[tilespmem:s9], [sflag:$0x2] =	stream.indirect.gather [hbm4b:s2+s6], $0x80, s8, s6, $0xb8;
	[tilespmem:$0x4200] =	vst v63  }
0xf: {  	_ =	swait.ge [sflag:s10], $0x2000  }
0x10: {  	s12 =	sshll.u32 s12, $0xC;
	[sflag:s10] =	ssyncset.done $0x0  }
0x11: {  	s11 =	sadd.s32 s11, s12;
	[sflag:s10] =	ssyncadd.s32 $0xFFFFE000  }
0x12: {  	[hbm4b:s11+s3] =	stream.linear.scatter [tilespmem:s7], [sflag:$0x3], $0x2000, $0x38;
	[tilespmem:$0x4200] =	vst v63  }
0x13: {  	_ =	swait.ge [sflag:s4], $0x2000  }
0x14: {  	[sflag:s4] =	ssyncset.done $0x0  }
0x15: {  	s13 =	simm.s32 $0x2;
	s12 =	simm.s32 $0x100;
	[sflag:s4] =	ssyncadd.s32 $0xFFFFE000  }
0x16: {  	[tilespmem:s7], [sflag:$0x1] =	stream.indirect.gather [hbm4b:s2+s6], $0x80, s12, s6, $0xb8;
	[tilespmem:$0x4200] =	vst v63  }
0x17: {  	_ =	swait.ge [sflag:s13], $0x2000  }
0x18: {  	[sflag:s13] =	ssyncset.done $0x0  }
0x19: {  	s14 =	sadd.s32 $0x400, s11;
	[sflag:s13] =	ssyncadd.s32 $0xFFFFE000  }
0x1a: {  	[hbm4b:s14+s3] =	stream.linear.scatter [tilespmem:s9], [sflag:$0x3], $0x2000, $0x38;
	[tilespmem:$0x4200] =	vst v63  }
0x1b: {  	_ =	swait.ge [sflag:s4], $0x2000  }
0x1c: {  	[sflag:s4] =	ssyncset.done $0x0  }
0x1d: {  	s15 =	simm.s32 $0x180;
	[sflag:s4] =	ssyncadd.s32 $0xFFFFE000  }
0x1e: {  	[tilespmem:s9], [sflag:$0x2] =	stream.indirect.gather [hbm4b:s2+s6], $0x80, s15, s6, $0xb8;
	[tilespmem:$0x4200] =	vst v63  }
0x1f: {  	_ =	swait.ge [sflag:s10], $0x2000  }
0x20: {  	[sflag:s10] =	ssyncset.done $0x0  }
0x21: {  	s17 =	ssub.s32 $0x2, s17;
	s16 =	sadd.s32 $0x800, s11;
	[sflag:s10] =	ssyncadd.s32 $0xFFFFE000  }
0x22: {  	[hbm4b:s16+s3] =	stream.linear.scatter [tilespmem:s7], [sflag:$0x3], $0x2000, $0x38;
	[tilespmem:$0x4200] =	vst v63  }
0x23: {  	s18 =	sshrl.u32 s17, $0x1;
	_ =	swait.ge [sflag:s4], $0x2000  }
0x24: {  	s18 =	ssub.s32 s17, s18;
	[sflag:s4] =	ssyncset.done $0x0  }
0x25: {  	s18 =	smax.u32 s18, $0x1;
	[sflag:s4] =	ssyncadd.s32 $0xFFFFE000  }
0x26: {  	p0 =	sne.s32 s18, $0x1;
	_ =	swait.ge [sflag:s13], $0x2000  }
.Ltmp0:
0x27: {  	[sflag:s13] =	ssyncset.done $0x0;
	(pc) =	sbr.rel @!p0 .LBB2_2-.Ltmp0, $4  }
0x28: {  	s17 =	sadd.s32 $0xC00, s11;
	[sflag:s13] =	ssyncadd.s32 $0xFFFFE000  }
0x29: {  	[hbm4b:s17+s3] =	stream.linear.scatter [tilespmem:s9], [sflag:$0x3], $0x2000, $0x38;
	[tilespmem:$0x4200] =	vst v63  }
0x2a: {  	_ =	swait.ge [sflag:s4], $0x2000  }
0x2b: {  	s18 =	sadd.s32 $0xFFFFFFFF, s18;
	[sflag:s4] =	ssyncset.done $0x0  }
.LBB2_1:
0x2c: {  	p0 =	sne.s32 s18, $0x1;
	s18 =	sadd.s32 $0xFFFFFFFF, s18;
	[sflag:s4] =	ssyncadd.s32 $0xFFFFE000  }
0x2d: {  	[tilespmem:s3], [sflag:$0x3] =	stream.linear.gather [hbm4b:s5+s3], $0x200, $0x38;
	[tilespmem:$0x4200] =	vst v63  }
0x2e: {  	_ =	swait.ge [sflag:s4], $0x200  }
0x2f: {  	[sflag:s4] =	ssyncset.done $0x0  }
0x30: {  	[sflag:s4] =	ssyncadd.s32 $0xFFFFFE00  }
0x31: {  	[tilespmem:s7], [sflag:$0x1] =	stream.indirect.gather [hbm4b:s2+s6], $0x80, s3, s6, $0xb8;
	[tilespmem:$0x4200] =	vst v63  }
0x32: {  	_ = 	snop  }
0x33: {  	[tilespmem:s9], [sflag:$0x2] =	stream.indirect.gather [hbm4b:s2+s6], $0x80, s8, s6, $0xb8;
	[tilespmem:$0x4200] =	vst v63  }
0x34: {  	_ =	swait.ge [sflag:s10], $0x2000  }
0x35: {  	[sflag:s10] =	ssyncset.done $0x0  }
0x36: {  	[sflag:s10] =	ssyncadd.s32 $0xFFFFE000  }
0x37: {  	[hbm4b:s11+s3] =	stream.linear.scatter [tilespmem:s7], [sflag:$0x3], $0x2000, $0x38;
	[tilespmem:$0x4200] =	vst v63  }
0x38: {  	_ =	swait.ge [sflag:s4], $0x2000  }
0x39: {  	[sflag:s4] =	ssyncset.done $0x0  }
0x3a: {  	[sflag:s4] =	ssyncadd.s32 $0xFFFFE000  }
0x3b: {  	[tilespmem:s7], [sflag:$0x1] =	stream.indirect.gather [hbm4b:s2+s6], $0x80, s12, s6, $0xb8;
	[tilespmem:$0x4200] =	vst v63  }
0x3c: {  	_ =	swait.ge [sflag:s13], $0x2000  }
0x3d: {  	[sflag:s13] =	ssyncset.done $0x0  }
0x3e: {  	[sflag:s13] =	ssyncadd.s32 $0xFFFFE000  }
0x3f: {  	[hbm4b:s14+s3] =	stream.linear.scatter [tilespmem:s9], [sflag:$0x3], $0x2000, $0x38;
	[tilespmem:$0x4200] =	vst v63  }
0x40: {  	_ =	swait.ge [sflag:s4], $0x2000  }
0x41: {  	[sflag:s4] =	ssyncset.done $0x0  }
0x42: {  	[sflag:s4] =	ssyncadd.s32 $0xFFFFE000  }
0x43: {  	[tilespmem:s9], [sflag:$0x2] =	stream.indirect.gather [hbm4b:s2+s6], $0x80, s15, s6, $0xb8;
	[tilespmem:$0x4200] =	vst v63  }
0x44: {  	_ =	swait.ge [sflag:s10], $0x2000  }
0x45: {  	[sflag:s10] =	ssyncset.done $0x0  }
0x46: {  	[sflag:s10] =	ssyncadd.s32 $0xFFFFE000  }
0x47: {  	[hbm4b:s16+s3] =	stream.linear.scatter [tilespmem:s7], [sflag:$0x3], $0x2000, $0x38;
	[tilespmem:$0x4200] =	vst v63  }
0x48: {  	_ =	swait.ge [sflag:s4], $0x2000  }
0x49: {  	[sflag:s4] =	ssyncset.done $0x0  }
0x4a: {  	[sflag:s4] =	ssyncadd.s32 $0xFFFFE000  }
0x4b: {  	_ =	swait.ge [sflag:s13], $0x2000  }
.Ltmp1:
0x4c: {  	[sflag:s13] =	ssyncset.done $0x0;
	(pc) =	sbr.rel @p0 .LBB2_1-.Ltmp1, $4  }
0x4d: {  	[sflag:s13] =	ssyncadd.s32 $0xFFFFE000  }
0x4e: {  	[hbm4b:s17+s3] =	stream.linear.scatter [tilespmem:s9], [sflag:$0x3], $0x2000, $0x38;
	[tilespmem:$0x4200] =	vst v63  }
0x4f: {  	_ =	swait.ge [sflag:s4], $0x2000  }
0x50: {  	[sflag:s4] =	ssyncset.done $0x0  }
.LBB2_2:
0x51: {  	[sflag:s4] =	ssyncadd.s32 $0xFFFFE000  }
0x52: {  	_ =	sfence.sel $0x180000  }
0x53: {  	[bflag:$0x0] =	sbarrier.arrive $0xFFFF  }
0x54: {  	p0 =	sne.s32 s0, $0x0;
	_ =	strace $0x90000047  }
0x55: {  	s0 =	sadd.s32 @!p0 $0x100000, s1;
	[bflag:$0x2] =	sbarrier.arrive $0xFFFF  }
0x56: {  	[sflag:s0] =	ssyncadd.tile.s32 @!p0 $0x1;
	_ =	shalt  }
.Lfunc_end2:
_tile_overlayer_lowered:
.L_overlay_start_2:
0x57: {  	(tag) =	ssettag $0x2  }
0x58: {  	s0 =	rddreg [dreg:$0x0];
	s2 =	stileid.u32  }
0x59: {  	s1 =	rddreg [dreg:$0x1];
	p0 =	sne.s32 s2, $0x0  }
0x5a: {  	s3 =	rddreg [dreg:$0x2];
	[bflag:$0x3] =	sbarrier.arrive $0xFFFF;
	s2 =	simm.s32 @!p0 $0x1C03  }
0x5b: {  	[timem:s3], [sflag:s2] =	dma.local @!p0 [hbm:s0], s1  }
0x5c: {  	s0 =	simm.s32 @!p0 $0x3  }
0x5d: {  	_ =	swait.ge @!p0 [sflag:s0], s1  }
0x5e: {  	s1 =	ssub.s32 @!p0 $0x0, s1;
	[sflag:s0] =	ssyncset.done @!p0 $0x0  }
0x5f: {  	[sflag:s0] =	ssyncadd.s32 @!p0 s1  }
0x60: {  	[bflag:$0x3] =	sbarrier.arrive $0xFFFF  }
0x61: {  	_ =	shalt  }

</sc_bundles>
